<compile_context>
chip_gen: v7x
topology: tpu7x:2x2x1
jax: 0.10.2.dev20260603
libtpu: 0.0.44.dev20260713+nightly
codegen_flags: <defaults>
</compile_context>

<pallas_src>
import functools

import jax
import jax.numpy as jnp
from jax import lax
from jax.experimental import pallas as pl
from jax.experimental.pallas import tpu as pltpu
from jax.experimental.pallas import tpu_sc as plsc

_B = 4096
_D = 64
_ROW_BLK = 256
_L = 16


def _sc_gather_rows(targets, emb_table):
    info = plsc.get_sparse_core_info()
    nc = info.num_cores
    bpw = _B // nc

    mesh = plsc.ScalarSubcoreMesh(axis_name="c", num_cores=nc)

    @functools.partial(
        pl.kernel,
        mesh=mesh,
        compiler_params=pltpu.CompilerParams(
            use_tc_tiling_on_sc=True, needs_layout_passes=False),
        out_type=jax.ShapeDtypeStruct((_B, _D), jnp.float32),
        scratch_types=[
            pltpu.SMEM((bpw,), jnp.int32),
            pltpu.SemaphoreType.DMA,
        ],
    )
    def gather_kernel(tgt_hbm, emb_hbm, rows_out, idx_s, sem):
        base = lax.axis_index("c") * bpw
        pltpu.sync_copy(tgt_hbm.at[pl.ds(base, bpw)], idx_s)

        @pl.loop(0, bpw, step=8)
        def _(j):
            for i in range(8):
                pltpu.async_copy(
                    emb_hbm.at[pl.ds(idx_s[j + i], 1)],
                    rows_out.at[pl.ds(base + j + i, 1)], sem)

        pltpu.make_async_copy(
            emb_hbm.at[pl.ds(0, bpw)],
            rows_out.at[pl.ds(base, bpw)], sem).wait()

    return gather_kernel(targets, emb_table)


def _sc_gather_bias(targets, bwords):
    info = plsc.get_sparse_core_info()
    nc, ns = info.num_cores, info.num_subcores
    bpw = _B // (nc * ns)

    mesh = plsc.VectorSubcoreMesh(core_axis_name="c", subcore_axis_name="s")

    @functools.partial(
        pl.kernel,
        mesh=mesh,
        compiler_params=pltpu.CompilerParams(
            use_tc_tiling_on_sc=False, needs_layout_passes=False),
        out_type=jax.ShapeDtypeStruct((_B, _L), jnp.float32),
        scratch_types=[
            pltpu.VMEM((bpw,), jnp.int32),
            pltpu.VMEM((bpw,), jnp.int32),
            pltpu.VMEM((bpw, _L), jnp.float32),
            pltpu.SemaphoreType.DMA,
        ],
    )
    def gather_kernel(tgt_hbm, bwords_hbm, bw_out, idx_v, word_v, bw_v, sem):
        wid = lax.axis_index("s") * nc + lax.axis_index("c")
        base = wid * bpw
        pltpu.sync_copy(tgt_hbm.at[pl.ds(base, bpw)], idx_v)
        for k in range(bpw // _L):
            sl = pl.ds(k * _L, _L)
            word_v[sl] = lax.shift_right_logical(idx_v[sl], 4)
        pltpu.async_copy(bwords_hbm.at[word_v], bw_v, sem).wait()
        pltpu.sync_copy(bw_v, bw_out.at[pl.ds(base, bpw)])

    return gather_kernel(targets, bwords)


def _bcast_body(tb_ref, bw_ref, u_ref, g_ref, out_ref, dot_scr):
    @pl.when(pl.program_id(0) == 0)
    def _():
        dot_scr[...] = jnp.sum(u_ref[...] * g_ref[...], axis=1)[None, :]

    tsub = tb_ref[...].reshape(_ROW_BLK) & (_L - 1)
    sel = jnp.where(
        lax.broadcasted_iota(jnp.int32, (_ROW_BLK, _L), 1) == tsub[:, None],
        bw_ref[...], 0.0)
    bias_blk = jnp.sum(sel, axis=1)
    out_ref[...] = bias_blk[:, None] + dot_scr[...]


def kernel(user_representations, targets, emb_table, bias_table):
    targets = targets.astype(jnp.int32)
    bwords = bias_table.reshape(bias_table.shape[0] // _L, _L)
    g = _sc_gather_rows(targets, emb_table)
    btiles = _sc_gather_bias(targets, bwords)
    tgt3d = targets.reshape(_B // _ROW_BLK, 1, _ROW_BLK)
    return pl.pallas_call(
        _bcast_body,
        grid=(_B // _ROW_BLK,),
        in_specs=[
            pl.BlockSpec((1, 1, _ROW_BLK), lambda i: (i, 0, 0)),
            pl.BlockSpec((_ROW_BLK, _L), lambda i: (i, 0)),
            pl.BlockSpec((_B, _D), lambda i: (0, 0)),
            pl.BlockSpec((_B, _D), lambda i: (0, 0)),
        ],
        out_specs=pl.BlockSpec((_ROW_BLK, _B), lambda i: (i, 0)),
        out_shape=jax.ShapeDtypeStruct((_B, _B), jnp.float32),
        scratch_shapes=[pltpu.VMEM((1, _B), jnp.float32)],
    )(tgt3d, btiles, user_representations, g)

# --- scband reference (transcript-rebuilt; emitter-appended) ---
"""Pipeline reference for scband-pool-net-21861383537346 (READ-ONLY COPY).

The authoritative reference and input builder live on the scoring server;
editing this copy changes nothing except your own understanding.
"""

import jax, jax.numpy as jnp
import numpy as np

NUM_ITEMS = 1000000
EMBED_DIM = 64
BATCH = 4096
PADDING_IDX = 0


def setup_inputs(seed: int = 0) -> dict:
    key = jax.random.key(seed)
    k1, k2, k3 = jax.random.split(key, 3)
    user_representations = jax.random.normal(k1, (BATCH, EMBED_DIM), dtype=jnp.float32)
    targets = jax.random.randint(k2, (BATCH,), 0, NUM_ITEMS, dtype=jnp.int64)
    # ScaledEmbedding: normal init scaled by 1/embedding_dim, padding row zeroed
    emb_table = jax.random.normal(k3, (NUM_ITEMS, EMBED_DIM), dtype=jnp.float32) / EMBED_DIM
    emb_table = emb_table.at[PADDING_IDX].set(0.0)
    # ZeroEmbedding: zero init
    bias_table = jnp.zeros((NUM_ITEMS, 1), dtype=jnp.float32)
    return {
        "user_representations": user_representations,
        "targets": targets,
        "emb_table": emb_table,
        "bias_table": bias_table,
    }


def reference(user_representations, targets, emb_table, bias_table):
    # target_embedding = self.item_embeddings(targets)  -> gather
    target_embedding = jnp.take(emb_table, targets, axis=0)  # [B, D]
    # target_bias = self.item_biases(targets)
    target_bias = jnp.take(bias_table, targets, axis=0)  # [B, 1]
    # dot = (user_representations * target_embedding).sum(1)
    dot = (user_representations * target_embedding).sum(axis=1)  # [B]
    # return target_bias + dot  (broadcasts [B,1] + [B] -> [B,B], as in torch)
    return target_bias + dot

if __name__ == "__main__":
    import jax
    _d = setup_inputs()
    print(jax.jit(kernel)(*tuple(_d.values())))

</pallas_src>

<mosaic_0001>
#map = affine_map<(d0) -> (0)>
#map1 = affine_map<(d0) -> (0, 0)>
module attributes {stable_mosaic.version = 14 : i64} {
  func.func @gather_kernel(%arg0: i32, %arg1: memref<4096xi32, #tpu.memory_space<hbm>>, %arg2: memref<1000000x64xf32, #tpu.memory_space<hbm>>, %arg3: memref<4096x64xf32, #tpu.memory_space<hbm>>, %arg4: memref<2048xi32, #tpu.memory_space<smem>>, %arg5: memref<!tpu.dma_semaphore, #tpu.memory_space<semaphore_mem>>) attributes {dimension_semantics = [#tpu.dimension_semantics<core_parallel>], iteration_bounds = array<i64: 2>, scalar_prefetch = 0 : i64, scratch_operands = 2 : i64, tpu.core_type = #tpu.core_type<sc_scalar_subcore>, window_params = [{transform_indices = #map}, {transform_indices = #map1}, {transform_indices = #map1}]} {
    %mul3A = arith.constant 2048 : i32
    %mul3A_0 = arith.muli %arg0, %mul3A : i32
    "tpu.region"() ({
      %run_scoped3A = tpu.sem_alloc : memref<!tpu.dma_semaphore, #tpu.memory_space<semaphore_mem>>
      %dma_start3A = tpu.memref_slice %arg1[%mul3A_0] : memref<4096xi32, #tpu.memory_space<hbm>> -> memref<2048xi32, #tpu.memory_space<hbm>>
      tpu.enqueue_dma source(%dma_start3A : memref<2048xi32, #tpu.memory_space<hbm>>) target(%arg4 : memref<2048xi32, #tpu.memory_space<smem>>) target_semaphore(%run_scoped3A : memref<!tpu.dma_semaphore, #tpu.memory_space<semaphore_mem>>)
      %dma_wait3A_9 = tpu.memref_slice %arg1[%mul3A_0] : memref<4096xi32, #tpu.memory_space<hbm>> -> memref<2048xi32, #tpu.memory_space<hbm>>
      tpu.wait_dma2 semaphore(%run_scoped3A : memref<!tpu.dma_semaphore, #tpu.memory_space<semaphore_mem>>) src(%dma_wait3A_9 : memref<2048xi32, #tpu.memory_space<hbm>>) dst(%arg4 : memref<2048xi32, #tpu.memory_space<smem>>)
      tpu.yield
    }) : () -> ()
    %scan3A = arith.constant 0 : i32
    %scan3A_1 = arith.constant 256 : i32
    %scan3A_2 = arith.addi %scan3A, %scan3A_1 : i32
    %scan3A_3 = arith.constant 1 : i32
    scf.for %scan3A_9 = %scan3A to %scan3A_2 step %scan3A_3  : i32 {
      %mul3A_10 = arith.constant 8 : i32
      %mul3A_11 = arith.muli %scan3A_9, %mul3A_10 : i32
      %add3A = arith.constant 0 : i32
      %add3A_12 = arith.addi %add3A, %mul3A_11 : i32
      %add3A_13 = arith.constant 0 : i32
      %add3A_14 = arith.addi %add3A_12, %add3A_13 : i32
      %get3A = arith.index_cast %add3A_14 : i32 to index
      %get3A_15 = memref.load %arg4[%get3A] : memref<2048xi32, #tpu.memory_space<smem>>
      %add3A_16 = arith.addi %mul3A_0, %add3A_12 : i32
      %add3A_17 = arith.constant 0 : i32
      %add3A_18 = arith.addi %add3A_16, %add3A_17 : i32
      %dma_start3A = arith.constant 0 : i32
      %dma_start3A_19 = tpu.memref_slice %arg3[%add3A_18, %dma_start3A] : memref<4096x64xf32, #tpu.memory_space<hbm>> -> memref<1x64xf32, #tpu.memory_space<hbm>>
      %dma_start3A_20 = arith.constant 0 : i32
      %dma_start3A_21 = tpu.memref_slice %arg2[%get3A_15, %dma_start3A_20] : memref<1000000x64xf32, #tpu.memory_space<hbm>> -> memref<1x64xf32, #tpu.memory_space<hbm>>
      tpu.enqueue_dma source(%dma_start3A_21 : memref<1x64xf32, #tpu.memory_space<hbm>>) target(%dma_start3A_19 : memref<1x64xf32, #tpu.memory_space<hbm>>) target_semaphore(%arg5 : memref<!tpu.dma_semaphore, #tpu.memory_space<semaphore_mem>>)
      %add3A_22 = arith.constant 1 : i32
      %add3A_23 = arith.addi %add3A_12, %add3A_22 : i32
      %get3A_24 = arith.index_cast %add3A_23 : i32 to index
      %get3A_25 = memref.load %arg4[%get3A_24] : memref<2048xi32, #tpu.memory_space<smem>>
      %add3A_26 = arith.addi %mul3A_0, %add3A_12 : i32
      %add3A_27 = arith.constant 1 : i32
      %add3A_28 = arith.addi %add3A_26, %add3A_27 : i32
      %dma_start3A_29 = arith.constant 0 : i32
      %dma_start3A_30 = tpu.memref_slice %arg3[%add3A_28, %dma_start3A_29] : memref<4096x64xf32, #tpu.memory_space<hbm>> -> memref<1x64xf32, #tpu.memory_space<hbm>>
      %dma_start3A_31 = arith.constant 0 : i32
      %dma_start3A_32 = tpu.memref_slice %arg2[%get3A_25, %dma_start3A_31] : memref<1000000x64xf32, #tpu.memory_space<hbm>> -> memref<1x64xf32, #tpu.memory_space<hbm>>
      tpu.enqueue_dma source(%dma_start3A_32 : memref<1x64xf32, #tpu.memory_space<hbm>>) target(%dma_start3A_30 : memref<1x64xf32, #tpu.memory_space<hbm>>) target_semaphore(%arg5 : memref<!tpu.dma_semaphore, #tpu.memory_space<semaphore_mem>>)
      %add3A_33 = arith.constant 2 : i32
      %add3A_34 = arith.addi %add3A_12, %add3A_33 : i32
      %get3A_35 = arith.index_cast %add3A_34 : i32 to index
      %get3A_36 = memref.load %arg4[%get3A_35] : memref<2048xi32, #tpu.memory_space<smem>>
      %add3A_37 = arith.addi %mul3A_0, %add3A_12 : i32
      %add3A_38 = arith.constant 2 : i32
      %add3A_39 = arith.addi %add3A_37, %add3A_38 : i32
      %dma_start3A_40 = arith.constant 0 : i32
      %dma_start3A_41 = tpu.memref_slice %arg3[%add3A_39, %dma_start3A_40] : memref<4096x64xf32, #tpu.memory_space<hbm>> -> memref<1x64xf32, #tpu.memory_space<hbm>>
      %dma_start3A_42 = arith.constant 0 : i32
      %dma_start3A_43 = tpu.memref_slice %arg2[%get3A_36, %dma_start3A_42] : memref<1000000x64xf32, #tpu.memory_space<hbm>> -> memref<1x64xf32, #tpu.memory_space<hbm>>
      tpu.enqueue_dma source(%dma_start3A_43 : memref<1x64xf32, #tpu.memory_space<hbm>>) target(%dma_start3A_41 : memref<1x64xf32, #tpu.memory_space<hbm>>) target_semaphore(%arg5 : memref<!tpu.dma_semaphore, #tpu.memory_space<semaphore_mem>>)
      %add3A_44 = arith.constant 3 : i32
      %add3A_45 = arith.addi %add3A_12, %add3A_44 : i32
      %get3A_46 = arith.index_cast %add3A_45 : i32 to index
      %get3A_47 = memref.load %arg4[%get3A_46] : memref<2048xi32, #tpu.memory_space<smem>>
      %add3A_48 = arith.addi %mul3A_0, %add3A_12 : i32
      %add3A_49 = arith.constant 3 : i32
      %add3A_50 = arith.addi %add3A_48, %add3A_49 : i32
      %dma_start3A_51 = arith.constant 0 : i32
      %dma_start3A_52 = tpu.memref_slice %arg3[%add3A_50, %dma_start3A_51] : memref<4096x64xf32, #tpu.memory_space<hbm>> -> memref<1x64xf32, #tpu.memory_space<hbm>>
      %dma_start3A_53 = arith.constant 0 : i32
      %dma_start3A_54 = tpu.memref_slice %arg2[%get3A_47, %dma_start3A_53] : memref<1000000x64xf32, #tpu.memory_space<hbm>> -> memref<1x64xf32, #tpu.memory_space<hbm>>
      tpu.enqueue_dma source(%dma_start3A_54 : memref<1x64xf32, #tpu.memory_space<hbm>>) target(%dma_start3A_52 : memref<1x64xf32, #tpu.memory_space<hbm>>) target_semaphore(%arg5 : memref<!tpu.dma_semaphore, #tpu.memory_space<semaphore_mem>>)
      %add3A_55 = arith.constant 4 : i32
      %add3A_56 = arith.addi %add3A_12, %add3A_55 : i32
      %get3A_57 = arith.index_cast %add3A_56 : i32 to index
      %get3A_58 = memref.load %arg4[%get3A_57] : memref<2048xi32, #tpu.memory_space<smem>>
      %add3A_59 = arith.addi %mul3A_0, %add3A_12 : i32
      %add3A_60 = arith.constant 4 : i32
      %add3A_61 = arith.addi %add3A_59, %add3A_60 : i32
      %dma_start3A_62 = arith.constant 0 : i32
      %dma_start3A_63 = tpu.memref_slice %arg3[%add3A_61, %dma_start3A_62] : memref<4096x64xf32, #tpu.memory_space<hbm>> -> memref<1x64xf32, #tpu.memory_space<hbm>>
      %dma_start3A_64 = arith.constant 0 : i32
      %dma_start3A_65 = tpu.memref_slice %arg2[%get3A_58, %dma_start3A_64] : memref<1000000x64xf32, #tpu.memory_space<hbm>> -> memref<1x64xf32, #tpu.memory_space<hbm>>
      tpu.enqueue_dma source(%dma_start3A_65 : memref<1x64xf32, #tpu.memory_space<hbm>>) target(%dma_start3A_63 : memref<1x64xf32, #tpu.memory_space<hbm>>) target_semaphore(%arg5 : memref<!tpu.dma_semaphore, #tpu.memory_space<semaphore_mem>>)
      %add3A_66 = arith.constant 5 : i32
      %add3A_67 = arith.addi %add3A_12, %add3A_66 : i32
      %get3A_68 = arith.index_cast %add3A_67 : i32 to index
      %get3A_69 = memref.load %arg4[%get3A_68] : memref<2048xi32, #tpu.memory_space<smem>>
      %add3A_70 = arith.addi %mul3A_0, %add3A_12 : i32
      %add3A_71 = arith.constant 5 : i32
      %add3A_72 = arith.addi %add3A_70, %add3A_71 : i32
      %dma_start3A_73 = arith.constant 0 : i32
      %dma_start3A_74 = tpu.memref_slice %arg3[%add3A_72, %dma_start3A_73] : memref<4096x64xf32, #tpu.memory_space<hbm>> -> memref<1x64xf32, #tpu.memory_space<hbm>>
      %dma_start3A_75 = arith.constant 0 : i32
      %dma_start3A_76 = tpu.memref_slice %arg2[%get3A_69, %dma_start3A_75] : memref<1000000x64xf32, #tpu.memory_space<hbm>> -> memref<1x64xf32, #tpu.memory_space<hbm>>
      tpu.enqueue_dma source(%dma_start3A_76 : memref<1x64xf32, #tpu.memory_space<hbm>>) target(%dma_start3A_74 : memref<1x64xf32, #tpu.memory_space<hbm>>) target_semaphore(%arg5 : memref<!tpu.dma_semaphore, #tpu.memory_space<semaphore_mem>>)
      %add3A_77 = arith.constant 6 : i32
      %add3A_78 = arith.addi %add3A_12, %add3A_77 : i32
      %get3A_79 = arith.index_cast %add3A_78 : i32 to index
      %get3A_80 = memref.load %arg4[%get3A_79] : memref<2048xi32, #tpu.memory_space<smem>>
      %add3A_81 = arith.addi %mul3A_0, %add3A_12 : i32
      %add3A_82 = arith.constant 6 : i32
      %add3A_83 = arith.addi %add3A_81, %add3A_82 : i32
      %dma_start3A_84 = arith.constant 0 : i32
      %dma_start3A_85 = tpu.memref_slice %arg3[%add3A_83, %dma_start3A_84] : memref<4096x64xf32, #tpu.memory_space<hbm>> -> memref<1x64xf32, #tpu.memory_space<hbm>>
      %dma_start3A_86 = arith.constant 0 : i32
      %dma_start3A_87 = tpu.memref_slice %arg2[%get3A_80, %dma_start3A_86] : memref<1000000x64xf32, #tpu.memory_space<hbm>> -> memref<1x64xf32, #tpu.memory_space<hbm>>
      tpu.enqueue_dma source(%dma_start3A_87 : memref<1x64xf32, #tpu.memory_space<hbm>>) target(%dma_start3A_85 : memref<1x64xf32, #tpu.memory_space<hbm>>) target_semaphore(%arg5 : memref<!tpu.dma_semaphore, #tpu.memory_space<semaphore_mem>>)
      %add3A_88 = arith.constant 7 : i32
      %add3A_89 = arith.addi %add3A_12, %add3A_88 : i32
      %get3A_90 = arith.index_cast %add3A_89 : i32 to index
      %get3A_91 = memref.load %arg4[%get3A_90] : memref<2048xi32, #tpu.memory_space<smem>>
      %add3A_92 = arith.addi %mul3A_0, %add3A_12 : i32
      %add3A_93 = arith.constant 7 : i32
      %add3A_94 = arith.addi %add3A_92, %add3A_93 : i32
      %dma_start3A_95 = arith.constant 0 : i32
      %dma_start3A_96 = tpu.memref_slice %arg3[%add3A_94, %dma_start3A_95] : memref<4096x64xf32, #tpu.memory_space<hbm>> -> memref<1x64xf32, #tpu.memory_space<hbm>>
      %dma_start3A_97 = arith.constant 0 : i32
      %dma_start3A_98 = tpu.memref_slice %arg2[%get3A_91, %dma_start3A_97] : memref<1000000x64xf32, #tpu.memory_space<hbm>> -> memref<1x64xf32, #tpu.memory_space<hbm>>
      tpu.enqueue_dma source(%dma_start3A_98 : memref<1x64xf32, #tpu.memory_space<hbm>>) target(%dma_start3A_96 : memref<1x64xf32, #tpu.memory_space<hbm>>) target_semaphore(%arg5 : memref<!tpu.dma_semaphore, #tpu.memory_space<semaphore_mem>>)
    }
    %scan3A_4 = arith.constant 256 : i32
    %dma_wait3A = arith.constant 0 : i32
    %dma_wait3A_5 = tpu.memref_slice %arg3[%mul3A_0, %dma_wait3A] : memref<4096x64xf32, #tpu.memory_space<hbm>> -> memref<2048x64xf32, #tpu.memory_space<hbm>>
    %dma_wait3A_6 = arith.constant 0 : i32
    %dma_wait3A_7 = arith.constant 0 : i32
    %dma_wait3A_8 = tpu.memref_slice %arg2[%dma_wait3A_6, %dma_wait3A_7] : memref<1000000x64xf32, #tpu.memory_space<hbm>> -> memref<2048x64xf32, #tpu.memory_space<hbm>>
    tpu.wait_dma2 semaphore(%arg5 : memref<!tpu.dma_semaphore, #tpu.memory_space<semaphore_mem>>) src(%dma_wait3A_8 : memref<2048x64xf32, #tpu.memory_space<hbm>>) dst(%dma_wait3A_5 : memref<2048x64xf32, #tpu.memory_space<hbm>>)
    return
  }
}

#map = affine_map<(d0, d1) -> (0)>
#map1 = affine_map<(d0, d1) -> (0, 0)>
module attributes {stable_mosaic.version = 14 : i64} {
  func.func @gather_kernel(%arg0: i32, %arg1: i32, %arg2: memref<4096xi32, #tpu.memory_space<hbm>>, %arg3: memref<62500x16xf32, #tpu.memory_space<hbm>>, %arg4: memref<4096x16xf32, #tpu.memory_space<hbm>>, %arg5: memref<128xi32, #tpu.memory_space<vmem>>, %arg6: memref<128xi32, #tpu.memory_space<vmem>>, %arg7: memref<128x16xf32, #tpu.memory_space<vmem>>, %arg8: memref<!tpu.dma_semaphore, #tpu.memory_space<semaphore_mem>>) attributes {dimension_semantics = [#tpu.dimension_semantics<core_parallel>, #tpu.dimension_semantics<subcore_parallel>], iteration_bounds = array<i64: 2, 16>, scalar_prefetch = 0 : i64, scratch_operands = 4 : i64, tpu.core_type = #tpu.core_type<sc_vector_subcore>, window_params = [{transform_indices = #map}, {transform_indices = #map1}, {transform_indices = #map1}]} {
    %mul3A = arith.constant 2 : i32
    %mul3A_0 = arith.muli %arg1, %mul3A : i32
    %add3A = arith.addi %mul3A_0, %arg0 : i32
    %mul3A_1 = arith.constant 128 : i32
    %mul3A_2 = arith.muli %add3A, %mul3A_1 : i32
    "tpu.region"() ({
      %run_scoped3A = tpu.sem_alloc : memref<!tpu.dma_semaphore, #tpu.memory_space<semaphore_mem>>
      %dma_start3A_60 = tpu.memref_slice %arg2[%mul3A_2] : memref<4096xi32, #tpu.memory_space<hbm>> -> memref<128xi32, #tpu.memory_space<hbm>>
      %dma_start3A_61 = tpu.memref_slice %arg2[%mul3A_2] : memref<4096xi32, #tpu.memory_space<hbm>> -> memref<128xi32, #tpu.memory_space<hbm>>
      tpu.enqueue_dma source(%dma_start3A_61 : memref<128xi32, #tpu.memory_space<hbm>>) target(%arg5 : memref<128xi32, #tpu.memory_space<vmem>>) target_semaphore(%run_scoped3A : memref<!tpu.dma_semaphore, #tpu.memory_space<semaphore_mem>>)
      %dma_wait3A_62 = tpu.memref_slice %arg2[%mul3A_2] : memref<4096xi32, #tpu.memory_space<hbm>> -> memref<128xi32, #tpu.memory_space<hbm>>
      %dma_wait3A_63 = tpu.memref_slice %arg2[%mul3A_2] : memref<4096xi32, #tpu.memory_space<hbm>> -> memref<128xi32, #tpu.memory_space<hbm>>
      tpu.wait_dma2 semaphore(%run_scoped3A : memref<!tpu.dma_semaphore, #tpu.memory_space<semaphore_mem>>) src(%dma_wait3A_63 : memref<128xi32, #tpu.memory_space<hbm>>) dst(%arg5 : memref<128xi32, #tpu.memory_space<vmem>>)
      tpu.yield
    }) : () -> ()
    %get3A = arith.constant 0 : index
    %get3A_3 = tpu.vector_load %arg5[%get3A] {strides = array<i32>} : memref<128xi32, #tpu.memory_space<vmem>>, vector<16xi32>,
    %shift_right_logical3A = arith.constant 4 : i32
    %shift_right_logical3A_4 = vector.broadcast %shift_right_logical3A : i32 to vector<16xi32>
    %shift_right_logical3A_5 = arith.shrui %get3A_3, %shift_right_logical3A_4 : vector<16xi32>
    %swap3A = arith.constant 0 : index
    %swap3A_6 = tpu.vector_load %arg6[%swap3A] {strides = array<i32>} : memref<128xi32, #tpu.memory_space<vmem>>, vector<16xi32>,
    tpu.vector_store %arg6[%swap3A], %shift_right_logical3A_5 {strides = array<i32>} : memref<128xi32, #tpu.memory_space<vmem>>, vector<16xi32>,
    %get3A_7 = arith.constant 16 : index
    %get3A_8 = tpu.vector_load %arg5[%get3A_7] {strides = array<i32>} : memref<128xi32, #tpu.memory_space<vmem>>, vector<16xi32>,
    %shift_right_logical3A_9 = arith.constant 4 : i32
    %shift_right_logical3A_10 = vector.broadcast %shift_right_logical3A_9 : i32 to vector<16xi32>
    %shift_right_logical3A_11 = arith.shrui %get3A_8, %shift_right_logical3A_10 : vector<16xi32>
    %swap3A_12 = arith.constant 16 : index
    %swap3A_13 = tpu.vector_load %arg6[%swap3A_12] {strides = array<i32>} : memref<128xi32, #tpu.memory_space<vmem>>, vector<16xi32>,
    tpu.vector_store %arg6[%swap3A_12], %shift_right_logical3A_11 {strides = array<i32>} : memref<128xi32, #tpu.memory_space<vmem>>, vector<16xi32>,
    %get3A_14 = arith.constant 32 : index
    %get3A_15 = tpu.vector_load %arg5[%get3A_14] {strides = array<i32>} : memref<128xi32, #tpu.memory_space<vmem>>, vector<16xi32>,
    %shift_right_logical3A_16 = arith.constant 4 : i32
    %shift_right_logical3A_17 = vector.broadcast %shift_right_logical3A_16 : i32 to vector<16xi32>
    %shift_right_logical3A_18 = arith.shrui %get3A_15, %shift_right_logical3A_17 : vector<16xi32>
    %swap3A_19 = arith.constant 32 : index
    %swap3A_20 = tpu.vector_load %arg6[%swap3A_19] {strides = array<i32>} : memref<128xi32, #tpu.memory_space<vmem>>, vector<16xi32>,
    tpu.vector_store %arg6[%swap3A_19], %shift_right_logical3A_18 {strides = array<i32>} : memref<128xi32, #tpu.memory_space<vmem>>, vector<16xi32>,
    %get3A_21 = arith.constant 48 : index
    %get3A_22 = tpu.vector_load %arg5[%get3A_21] {strides = array<i32>} : memref<128xi32, #tpu.memory_space<vmem>>, vector<16xi32>,
    %shift_right_logical3A_23 = arith.constant 4 : i32
    %shift_right_logical3A_24 = vector.broadcast %shift_right_logical3A_23 : i32 to vector<16xi32>
    %shift_right_logical3A_25 = arith.shrui %get3A_22, %shift_right_logical3A_24 : vector<16xi32>
    %swap3A_26 = arith.constant 48 : index
    %swap3A_27 = tpu.vector_load %arg6[%swap3A_26] {strides = array<i32>} : memref<128xi32, #tpu.memory_space<vmem>>, vector<16xi32>,
    tpu.vector_store %arg6[%swap3A_26], %shift_right_logical3A_25 {strides = array<i32>} : memref<128xi32, #tpu.memory_space<vmem>>, vector<16xi32>,
    %get3A_28 = arith.constant 64 : index
    %get3A_29 = tpu.vector_load %arg5[%get3A_28] {strides = array<i32>} : memref<128xi32, #tpu.memory_space<vmem>>, vector<16xi32>,
    %shift_right_logical3A_30 = arith.constant 4 : i32
    %shift_right_logical3A_31 = vector.broadcast %shift_right_logical3A_30 : i32 to vector<16xi32>
    %shift_right_logical3A_32 = arith.shrui %get3A_29, %shift_right_logical3A_31 : vector<16xi32>
    %swap3A_33 = arith.constant 64 : index
    %swap3A_34 = tpu.vector_load %arg6[%swap3A_33] {strides = array<i32>} : memref<128xi32, #tpu.memory_space<vmem>>, vector<16xi32>,
    tpu.vector_store %arg6[%swap3A_33], %shift_right_logical3A_32 {strides = array<i32>} : memref<128xi32, #tpu.memory_space<vmem>>, vector<16xi32>,
    %get3A_35 = arith.constant 80 : index
    %get3A_36 = tpu.vector_load %arg5[%get3A_35] {strides = array<i32>} : memref<128xi32, #tpu.memory_space<vmem>>, vector<16xi32>,
    %shift_right_logical3A_37 = arith.constant 4 : i32
    %shift_right_logical3A_38 = vector.broadcast %shift_right_logical3A_37 : i32 to vector<16xi32>
    %shift_right_logical3A_39 = arith.shrui %get3A_36, %shift_right_logical3A_38 : vector<16xi32>
    %swap3A_40 = arith.constant 80 : index
    %swap3A_41 = tpu.vector_load %arg6[%swap3A_40] {strides = array<i32>} : memref<128xi32, #tpu.memory_space<vmem>>, vector<16xi32>,
    tpu.vector_store %arg6[%swap3A_40], %shift_right_logical3A_39 {strides = array<i32>} : memref<128xi32, #tpu.memory_space<vmem>>, vector<16xi32>,
    %get3A_42 = arith.constant 96 : index
    %get3A_43 = tpu.vector_load %arg5[%get3A_42] {strides = array<i32>} : memref<128xi32, #tpu.memory_space<vmem>>, vector<16xi32>,
    %shift_right_logical3A_44 = arith.constant 4 : i32
    %shift_right_logical3A_45 = vector.broadcast %shift_right_logical3A_44 : i32 to vector<16xi32>
    %shift_right_logical3A_46 = arith.shrui %get3A_43, %shift_right_logical3A_45 : vector<16xi32>
    %swap3A_47 = arith.constant 96 : index
    %swap3A_48 = tpu.vector_load %arg6[%swap3A_47] {strides = array<i32>} : memref<128xi32, #tpu.memory_space<vmem>>, vector<16xi32>,
    tpu.vector_store %arg6[%swap3A_47], %shift_right_logical3A_46 {strides = array<i32>} : memref<128xi32, #tpu.memory_space<vmem>>, vector<16xi32>,
    %get3A_49 = arith.constant 112 : index
    %get3A_50 = tpu.vector_load %arg5[%get3A_49] {strides = array<i32>} : memref<128xi32, #tpu.memory_space<vmem>>, vector<16xi32>,
    %shift_right_logical3A_51 = arith.constant 4 : i32
    %shift_right_logical3A_52 = vector.broadcast %shift_right_logical3A_51 : i32 to vector<16xi32>
    %shift_right_logical3A_53 = arith.shrui %get3A_50, %shift_right_logical3A_52 : vector<16xi32>
    %swap3A_54 = arith.constant 112 : index
    %swap3A_55 = tpu.vector_load %arg6[%swap3A_54] {strides = array<i32>} : memref<128xi32, #tpu.memory_space<vmem>>, vector<16xi32>,
    tpu.vector_store %arg6[%swap3A_54], %shift_right_logical3A_53 {strides = array<i32>} : memref<128xi32, #tpu.memory_space<vmem>>, vector<16xi32>,
    %dma_start3A = arith.constant 0 : i32
    %dma_start3A_56 = arith.constant 0 : i32
    %dma_start3A_57 = tpu.memref_slice %arg3[%dma_start3A, %dma_start3A_56] : memref<62500x16xf32, #tpu.memory_space<hbm>> -> memref<62500x16xf32, #tpu.memory_space<hbm>>
    tpu.enqueue_indirect_dma source(%dma_start3A_57 : memref<62500x16xf32, #tpu.memory_space<hbm>>) target(%arg7 : memref<128x16xf32, #tpu.memory_space<vmem>>) offsets(%arg6 : memref<128xi32, #tpu.memory_space<vmem>>) semaphore(%arg8 : memref<!tpu.dma_semaphore, #tpu.memory_space<semaphore_mem>>)
    %dma_wait3A = arith.constant 0 : i32
    %dma_wait3A_58 = arith.constant 0 : i32
    %dma_wait3A_59 = tpu.memref_slice %arg3[%dma_wait3A, %dma_wait3A_58] : memref<62500x16xf32, #tpu.memory_space<hbm>> -> memref<62500x16xf32, #tpu.memory_space<hbm>>
    tpu.wait_indirect_dma semaphore(%arg8 : memref<!tpu.dma_semaphore, #tpu.memory_space<semaphore_mem>>) src(%dma_wait3A_59 : memref<62500x16xf32, #tpu.memory_space<hbm>>) dst(%arg7 : memref<128x16xf32, #tpu.memory_space<vmem>>)
    "tpu.region"() ({
      %run_scoped3A = tpu.sem_alloc : memref<!tpu.dma_semaphore, #tpu.memory_space<semaphore_mem>>
      %dma_start3A_60 = arith.constant 0 : i32
      %dma_start3A_61 = tpu.memref_slice %arg4[%mul3A_2, %dma_start3A_60] : memref<4096x16xf32, #tpu.memory_space<hbm>> -> memref<128x16xf32, #tpu.memory_space<hbm>>
      %dma_start3A_62 = arith.constant 0 : i32
      %dma_start3A_63 = tpu.memref_slice %arg4[%mul3A_2, %dma_start3A_62] : memref<4096x16xf32, #tpu.memory_space<hbm>> -> memref<128x16xf32, #tpu.memory_space<hbm>>
      tpu.enqueue_dma source(%arg7 : memref<128x16xf32, #tpu.memory_space<vmem>>) target(%dma_start3A_63 : memref<128x16xf32, #tpu.memory_space<hbm>>) target_semaphore(%run_scoped3A : memref<!tpu.dma_semaphore, #tpu.memory_space<semaphore_mem>>)
      %dma_wait3A_64 = arith.constant 0 : i32
      %dma_wait3A_65 = tpu.memref_slice %arg4[%mul3A_2, %dma_wait3A_64] : memref<4096x16xf32, #tpu.memory_space<hbm>> -> memref<128x16xf32, #tpu.memory_space<hbm>>
      %dma_wait3A_66 = arith.constant 0 : i32
      %dma_wait3A_67 = tpu.memref_slice %arg4[%mul3A_2, %dma_wait3A_66] : memref<4096x16xf32, #tpu.memory_space<hbm>> -> memref<128x16xf32, #tpu.memory_space<hbm>>
      tpu.wait_dma2 semaphore(%run_scoped3A : memref<!tpu.dma_semaphore, #tpu.memory_space<semaphore_mem>>) src(%arg7 : memref<128x16xf32, #tpu.memory_space<vmem>>) dst(%dma_wait3A_67 : memref<128x16xf32, #tpu.memory_space<hbm>>)
      tpu.yield
    }) : () -> ()
    return
  }
}

module attributes {stable_mosaic.version = 14 : i64} {
  func.func @_bcast_body(%arg0: i32, %arg1: memref<1x1x256xi32, #tpu.memory_space<vmem>>, %arg2: memref<256x16xf32, #tpu.memory_space<vmem>>, %arg3: memref<4096x64xf32, #tpu.memory_space<vmem>>, %arg4: memref<4096x64xf32, #tpu.memory_space<vmem>>, %arg5: memref<256x4096xf32, #tpu.memory_space<vmem>>, %arg6: memref<1x4096xf32, #tpu.memory_space<vmem>>) attributes {dimension_semantics = [#tpu.dimension_semantics<arbitrary>], iteration_bounds = array<i64: 16>, scalar_prefetch = 0 : i64, scratch_operands = 1 : i64, tpu.core_type = #tpu.core_type<tc>, window_params = [{transform_indices = @transform_0, window_bounds = array<i64: 1, 1, 256>}, {transform_indices = @transform_1, window_bounds = array<i64: 256, 16>}, {pipeline_mode = #tpu.pipeline_mode<synchronous>, transform_indices = @transform_2, window_bounds = array<i64: 4096, 64>}, {pipeline_mode = #tpu.pipeline_mode<synchronous>, transform_indices = @transform_3, window_bounds = array<i64: 4096, 64>}, {transform_indices = @transform_4, window_bounds = array<i64: 256, 4096>}]} {
    %eq3A = arith.constant 0 : i32
    %eq3A_0 = arith.cmpi eq, %arg0, %eq3A : i32
    %convert_element_type3A = arith.extui %eq3A_0 : i1 to i32
    %cond3A = arith.constant 0 : i32
    %cond3A_1 = arith.cmpi ne, %convert_element_type3A, %cond3A : i32
    scf.if %cond3A_1 {
      %get3A_22 = arith.constant 0 : index
      %get3A_23 = arith.constant 0 : index
      %get3A_24 = vector.load %arg3[%get3A_22, %get3A_23] : memref<4096x64xf32, #tpu.memory_space<vmem>>, vector<4096x64xf32>
      %get3A_25 = arith.constant 0 : index
      %get3A_26 = arith.constant 0 : index
      %get3A_27 = vector.load %arg4[%get3A_25, %get3A_26] : memref<4096x64xf32, #tpu.memory_space<vmem>>, vector<4096x64xf32>
      %mul3A = arith.mulf %get3A_24, %get3A_27 : vector<4096x64xf32>
      %reduce_sum3A_28 = arith.constant dense<0.000000e+00> : vector<4096xf32>
      %reduce_sum3A_29 = vector.multi_reduction <add>, %mul3A, %reduce_sum3A_28 [1] : vector<4096x64xf32> to vector<4096xf32>
      %broadcast_in_dim3A_30 = vector.shape_cast %reduce_sum3A_29 : vector<4096xf32> to vector<1x4096xf32>
      %swap3A_31 = arith.constant 0 : index
      %swap3A_32 = arith.constant 0 : index
      %swap3A_33 = vector.load %arg6[%swap3A_31, %swap3A_32] : memref<1x4096xf32, #tpu.memory_space<vmem>>, vector<1x4096xf32>
      tpu.vector_store %arg6[%swap3A_31, %swap3A_32], %broadcast_in_dim3A_30 {strides = array<i32>} : memref<1x4096xf32, #tpu.memory_space<vmem>>, vector<1x4096xf32>,
    } else {
    }
    %get3A = arith.constant 0 : index
    %get3A_2 = arith.constant 0 : index
    %get3A_3 = arith.constant 0 : index
    %get3A_4 = vector.load %arg1[%get3A, %get3A_2, %get3A_3] : memref<1x1x256xi32, #tpu.memory_space<vmem>>, vector<1x1x256xi32>
    %reshape3A = vector.shape_cast %get3A_4 : vector<1x1x256xi32> to vector<256xi32>
    %and3A = arith.constant 15 : i32
    %and3A_5 = vector.broadcast %and3A : i32 to vector<256xi32>
    %and3A_6 = arith.andi %reshape3A, %and3A_5 : vector<256xi32>
    %iota3A = tpu.iota {dimensions = array<i32: 1>} : vector<256x16xi32>
    %broadcast_in_dim3A = vector.shape_cast %and3A_6 : vector<256xi32> to vector<256x1xi32>
    %eq3A_7 = vector.broadcast %broadcast_in_dim3A : vector<256x1xi32> to vector<256x16xi32>
    %eq3A_8 = arith.cmpi eq, %iota3A, %eq3A_7 : vector<256x16xi32>
    %get3A_9 = arith.constant 0 : index
    %get3A_10 = arith.constant 0 : index
    %get3A_11 = vector.load %arg2[%get3A_9, %get3A_10] : memref<256x16xf32, #tpu.memory_space<vmem>>, vector<256x16xf32>
    %jit3A = arith.constant 0.000000e+00 : f32
    %broadcast_in_dim3A_12 = vector.broadcast %jit3A : f32 to vector<256x16xf32>
    %select_n3A = arith.select %eq3A_8, %get3A_11, %broadcast_in_dim3A_12 : vector<256x16xi1>, vector<256x16xf32>
    %reduce_sum3A = arith.constant dense<0.000000e+00> : vector<256xf32>
    %reduce_sum3A_13 = vector.multi_reduction <add>, %select_n3A, %reduce_sum3A [1] : vector<256x16xf32> to vector<256xf32>
    %broadcast_in_dim3A_14 = vector.shape_cast %reduce_sum3A_13 : vector<256xf32> to vector<256x1xf32>
    %get3A_15 = arith.constant 0 : index
    %get3A_16 = arith.constant 0 : index
    %get3A_17 = vector.load %arg6[%get3A_15, %get3A_16] : memref<1x4096xf32, #tpu.memory_space<vmem>>, vector<1x4096xf32>
    %add3A = vector.broadcast %broadcast_in_dim3A_14 : vector<256x1xf32> to vector<256x4096xf32>
    %add3A_18 = vector.broadcast %get3A_17 : vector<1x4096xf32> to vector<256x4096xf32>
    %add3A_19 = arith.addf %add3A, %add3A_18 : vector<256x4096xf32>
    %swap3A = arith.constant 0 : index
    %swap3A_20 = arith.constant 0 : index
    %swap3A_21 = vector.load %arg5[%swap3A, %swap3A_20] : memref<256x4096xf32, #tpu.memory_space<vmem>>, vector<256x4096xf32>
    tpu.vector_store %arg5[%swap3A, %swap3A_20], %add3A_19 {strides = array<i32>} : memref<256x4096xf32, #tpu.memory_space<vmem>>, vector<256x4096xf32>,
    return
  }
  func.func @transform_0(%arg0: i32) -> (i32, i32, i32) {
    %c0_i32 = arith.constant 0 : i32
    %c0_i32_0 = arith.constant 0 : i32
    %c0_i32_1 = arith.constant 0 : i32
    return %arg0, %c0_i32, %c0_i32_0 : i32, i32, i32
  }
  func.func @transform_1(%arg0: i32) -> (i32, i32) {
    %c0_i32 = arith.constant 0 : i32
    %c0_i32_0 = arith.constant 0 : i32
    return %arg0, %c0_i32 : i32, i32
  }
  func.func @transform_2(%arg0: i32) -> (i32, i32) {
    %c0_i32 = arith.constant 0 : i32
    %c0_i32_0 = arith.constant 0 : i32
    %c0_i32_1 = arith.constant 0 : i32
    return %c0_i32, %c0_i32_0 : i32, i32
  }
  func.func @transform_3(%arg0: i32) -> (i32, i32) {
    %c0_i32 = arith.constant 0 : i32
    %c0_i32_0 = arith.constant 0 : i32
    %c0_i32_1 = arith.constant 0 : i32
    return %c0_i32, %c0_i32_0 : i32, i32
  }
  func.func @transform_4(%arg0: i32) -> (i32, i32) {
    %c0_i32 = arith.constant 0 : i32
    %c0_i32_0 = arith.constant 0 : i32
    return %arg0, %c0_i32 : i32, i32
  }
}

</mosaic_0001>

<sc_bundles>
// kernel: kernel.5.cloned.1.call-start
scs
__scs_entry_jumppad:
0x0: {  	(pc) =	sbr.rel $0x88, $3  }
0x1: {  	(tag) =	ssettag $0x0;
	lr =	simm.s32 $0x1  }
0x2: {  	[smem:$0x3F9D] =	sst lr;
	_ =	strace $0xD0000000  }
0x3: {  	_ = 	snop  }
0x4: {  	_ = 	snop  }
0x5: {  	_ = 	snop  }
0x6: {  	_ = 	snop  }
0x7: {  	_ = 	snop  }
__scs_overlays_trampoline_lowered:
0x8: {  	[smem:$0x3FAC] =	sst s0  }
0x9: {  	[smem:$0x3FAD] =	sst s1  }
0xa: {  	[smem:$0x3FAE] =	sst s2  }
0xb: {  	[smem:$0x3FAF] =	sst s3  }
0xc: {  	[smem:$0x3FB0] =	sst s4  }
0xd: {  	[smem:$0x3FB1] =	sst s5  }
0xe: {  	[smem:$0x3FB2] =	sst s6  }
0xf: {  	[smem:$0x3FB3] =	sst s7  }
0x10: {  	[smem:$0x3FB4] =	sst s8  }
0x11: {  	[smem:$0x3FB5] =	sst s9;
	s0 =	simm.s32 @!p0 $0x0  }
0x12: {  	s1 =	sld [smem:$0x3F9B];
	s0 =	simm.s32 @p0 $0x1  }
0x13: {  	[smem:$0x3FB6] =	sst s0;
	s0 =	simm.s32 @!p1 $0x0  }
0x14: {  	s2 =	sld [smem:$0x3F9A];
	s0 =	simm.s32 @p1 $0x1  }
0x15: {  	[smem:$0x3FB7] =	sst s0;
	s0 =	simm.s32 @!p2 $0x0  }
0x16: {  	s3 =	sld [smem:$0x3FDB];
	s0 =	simm.s32 @p2 $0x1  }
0x17: {  	s4 =	simm.s32 $0x1BF5;
	[smem:$0x3FB9] =	sst s0  }
0x18: {  	s0 =	sld [smem:$0x3F9C];
	_ =	swait.ge [sflag:s4], $0x0  }
0x19: {  	s7 =	sld [smem:$0x3F9D]  }
0x1a: {  	s8 =	sadd.s32 $0xFFFFE003, lr  }
0x1b: {  	s9 =	sadd.s32 $0xFFFFFEF7, lr;
	s5 =	simm.s32 $0xFFFFFFFF;
	p2 =	slt.u32 s8, $0xFFFFF086  }
0x1c: {  	p1 =	slt.u32 s9, $0xF7A;
	s5 =	simm.s32 @!p2 $0x0  }
0x1d: {  	s5 =	simm.s32 @p1 $0x1;
	p0 =	seq.s32 s7, s2  }
0x1e: {  	s7 =	smul.u32 @!p0 $0xF7A, s2;
	p2 =	seq.s32 @!p0 s5, $0x0  }
0x1f: {  	s9 =	smul.u32 $0xF7A, s1;
	s8 =	simm.s32 @!p0 $0x1BF5;
	p2 =	por !p2, p0  }
0x20: {  	[sflag:s8] =	ssyncset.s32 @!p0 $0xFFFFF086;
	s6 =	sadd.s32 @!p0 s3, s7;
	s7 =	simm.s32 @!p0 $0x108  }
0x21: {  	s3 =	sadd.s32 s3, s9;
	s6 =	sadd.s32 @!p0 $0x88, s6;
	s7 =	simm.s32 @p2 $0x1082  }
0x22: {  	[simem:s7], [sflag:s8] =	dma.local @!p0 [hbm:s6], $0xF7A  }
0x23: {  	s9 =	sor.u32 $0xD0000000, s2;
	s6 =	simm.s32 $0x108;
	_ =	swait.ge @!p0 [sflag:s8], $0x0  }
0x24: {  	s3 =	sadd.s32 $0x88, s3;
	s6 =	simm.s32 @!p1 $0x1082;
	[sflag:s4] =	ssyncset.s32 $0xFFFFF086  }
0x25: {  	[simem:s6], [sflag:s4] =	dma.local [hbm:s3], $0xF7A  }
0x26: {  	[smem:$0x3F9D] =	sst s1;
	(tag) =	ssettag s2;
	_ =	strace s9  }
0x27: {  	s1 =	sld [smem:$0x3FAD]  }
0x28: {  	s2 =	sld [smem:$0x3FAE]  }
0x29: {  	s4 =	sld [smem:$0x3FB0]  }
0x2a: {  	p0 =	seq.s32 s5, $0x0;
	s5 =	sld [smem:$0x3FB1]  }
0x2b: {  	s6 =	sld [smem:$0x3FB2]  }
0x2c: {  	s7 =	sld [smem:$0x3FB3]  }
0x2d: {  	s3 =	simm.s32 $0x108;
	s8 =	sld [smem:$0x3FB4]  }
0x2e: {  	s3 =	simm.s32 @!p0 $0x1082;
	s9 =	sld [smem:$0x3FB5]  }
0x2f: {  	lr =	sadd.s32 s0, s3;
	s0 =	sld [smem:$0x3FAC]  }
0x30: {  	s3 =	sld [smem:$0x3FAF]  }
0x31: {  	[smem:$0x3FB8] =	sst s10  }
0x32: {  	s10 =	sld [smem:$0x3FB6];
	_ =	sdelay $0x3  }
0x33: {  	p0 =	seq.s32 s10, $0x1;
	s10 =	sld [smem:$0x3FB8];
	_ =	sdelay $0x3  }
0x34: {  	[smem:$0x3FB8] =	sst s10  }
0x35: {  	s10 =	sld [smem:$0x3FB7];
	_ =	sdelay $0x3  }
0x36: {  	p1 =	seq.s32 s10, $0x1;
	s10 =	sld [smem:$0x3FB8];
	_ =	sdelay $0x3  }
0x37: {  	[smem:$0x3FB8] =	sst s10  }
0x38: {  	s10 =	sld [smem:$0x3FB9]  }
0x39: {  	_ = 	snop;
	(pc) =	sbr.ind lr, $3  }
0x3a: {  	_ = 	snop  }
0x3b: {  	_ = 	snop  }
0x3c: {  	p2 =	seq.s32 s10, $0x1;
	s10 =	sld [smem:$0x3FB8]  }
0x3d: {  	_ =	shalt  }
0x3e: {  	_ =	shalt  }
0x3f: {  	_ =	shalt  }
0x40: {  	_ =	shalt  }
0x41: {  	_ =	shalt  }
0x42: {  	_ =	shalt  }
0x43: {  	_ =	shalt  }
0x44: {  	_ =	shalt  }
0x45: {  	_ =	shalt  }
0x46: {  	_ =	shalt  }
0x47: {  	_ =	shalt  }
0x48: {  	_ =	shalt  }
0x49: {  	_ =	shalt  }
0x4a: {  	_ =	shalt  }
0x4b: {  	_ =	shalt  }
0x4c: {  	_ =	shalt  }
0x4d: {  	_ =	shalt  }
0x4e: {  	_ =	shalt  }
0x4f: {  	_ =	shalt  }
0x50: {  	_ =	shalt  }
0x51: {  	_ =	shalt  }
0x52: {  	_ =	shalt  }
0x53: {  	_ =	shalt  }
0x54: {  	_ =	shalt  }
0x55: {  	_ =	shalt  }
0x56: {  	_ =	shalt  }
0x57: {  	_ =	shalt  }
0x58: {  	_ =	shalt  }
0x59: {  	_ =	shalt  }
0x5a: {  	_ =	shalt  }
0x5b: {  	_ =	shalt  }
0x5c: {  	_ =	shalt  }
0x5d: {  	_ =	shalt  }
0x5e: {  	_ =	shalt  }
0x5f: {  	_ =	shalt  }
0x60: {  	_ =	shalt  }
0x61: {  	_ =	shalt  }
0x62: {  	_ =	shalt  }
0x63: {  	_ =	shalt  }
0x64: {  	_ =	shalt  }
0x65: {  	_ =	shalt  }
0x66: {  	_ =	shalt  }
0x67: {  	_ =	shalt  }
0x68: {  	_ =	shalt  }
0x69: {  	_ =	shalt  }
0x6a: {  	_ =	shalt  }
0x6b: {  	_ =	shalt  }
0x6c: {  	_ =	shalt  }
0x6d: {  	_ =	shalt  }
0x6e: {  	_ =	shalt  }
0x6f: {  	_ =	shalt  }
0x70: {  	_ =	shalt  }
0x71: {  	_ =	shalt  }
0x72: {  	_ =	shalt  }
0x73: {  	_ =	shalt  }
0x74: {  	_ =	shalt  }
0x75: {  	_ =	shalt  }
0x76: {  	_ =	shalt  }
0x77: {  	_ =	shalt  }
0x78: {  	_ =	shalt  }
0x79: {  	_ =	shalt  }
0x7a: {  	_ =	shalt  }
0x7b: {  	_ =	shalt  }
0x7c: {  	_ =	shalt  }
0x7d: {  	_ =	shalt  }
0x7e: {  	_ =	shalt  }
0x7f: {  	_ =	shalt  }
0x80: {  	_ =	shalt  }
0x81: {  	_ =	shalt  }
0x82: {  	_ =	shalt  }
0x83: {  	_ =	shalt  }
0x84: {  	_ =	shalt  }
0x85: {  	_ =	shalt  }
0x86: {  	_ =	shalt  }
0x87: {  	_ =	shalt  }
.Lfunc_end0:
.L_simem_size_0:
called_computation_lowered:
.L_overlay_start_0:
0x88: {  	s2 =	sld [smem:$0x3FD9]  }
0x89: {  	s3 =	sld [smem:$0x3FFE];
	_ =	sdelay $0x1  }
0x8a: {  	s1 =	srdreg.scid  }
0x8b: {  	s0 =	sand.u32 $0x1, s1  }
0x8c: {  	s14 =	sshll.u32 s0, $0xA;
	s2 =	sadd.s32 s3, s2  }
0x8d: {  	s2 =	sadd.s32 s2, s14  }
0x8e: {  	s15 =	simm.s32 $0x0;
	[smem:$0x3FC4] =	sst s2  }
0x8f: {  	[smem:$0xF] =	sst s15  }
0x90: {  	s2 =	sld [smem:$0x3FC8];
	(tm) =	ssettm $0x1  }
0x91: {  	s16 =	sld [smem:$0x3FFB];
	_ =	sdelay $0x3  }
0x92: {  	_ =	strace s16  }
0x93: {  	s3 =	sld [smem:$0x3FFC];
	_ =	sdelay $0x3  }
0x94: {  	_ =	strace s3  }
0x95: {  	s3 =	sld [smem:$0x3FFD];
	_ =	sdelay $0x3  }
0x96: {  	_ =	strace s3  }
0x97: {  	s17 =	simm.s32 $0x1B8B;
	_ =	strace $0x8FFFFFFF  }
0x98: {  	_ =	swait.ge [sflag:s17], $0x1  }
0x99: {  	[sflag:s17] =	ssyncset.done $0x0  }
0x9a: {  	[sflag:s17] =	ssyncadd.s32 $0xFFFFFFFF  }
0x9b: {  	s3 =	sld [smem:$0x0]  }
0x9c: {  	s4 =	sand.u32 $0xFFFFFFFE, s1  }
0x9d: {  	p0 =	sne.s32 s1, s4  }
0x9e: {  	s4 =	sshll.u32 @p0 s4, $0xE  }
0x9f: {  	s4 =	sadd.s32 @p0 $0x11B8D, s4;
	s5 =	sshll.u32 @p0 s3, $0x11  }
0xa0: {  	s4 =	sor.u32 @p0 s5, s4  }
0xa1: {  	[sflag:s4] =	ssyncadd.remote.s32 @p0 $0x1;
	_ =	sdelay $0x1  }
0xa2: {  	s4 =	simm.s32 @p0 $0x1B8D  }
0xa3: {  	_ =	swait.eq @p0 [sflag:s4], $0x1  }
0xa4: {  	[sflag:s4] =	ssyncadd.s32 @p0 $0xFFFFFFFF  }
0xa5: {  	s5 =	sshll.u32 @!p0 s1, $0xE  }
0xa6: {  	s5 =	sor.u32 @!p0 $0x4000, s5;
	s4 =	simm.s32 @!p0 $0x1B8D  }
0xa7: {  	s3 =	sshll.u32 @!p0 s3, $0x11;
	s5 =	sadd.s32 @!p0 $0x11B8D, s5;
	_ =	swait.eq @!p0 [sflag:s4], $0x1  }
0xa8: {  	s3 =	sor.u32 @!p0 s3, s5;
	[sflag:s4] =	ssyncadd.s32 @!p0 $0xFFFFFFFF  }
0xa9: {  	s19 =	simm.s32 $0x1B8E;
	s21 =	simm.s32 $0xB;
	[sflag:s3] =	ssyncadd.remote.s32 @!p0 $0x1  }
0xaa: {  	s22 =	simm.s32 $0x10;
	s20 =	sshll.u32 s0, $0x8;
	[smem:$0x3FD2] =	sst s19  }
0xab: {  	s2 =	sadd.s32 s20, s2;
	s18 =	sld [smem:$0x3FFE];
	_ =	strace $0x80000049  }
0xac: {  	[smem:s22], [sflag:s21] =	dma.local [hbm:s2], $0x100  }
0xad: {  	_ =	swait.ge [sflag:s21], $0x100  }
0xae: {  	[sflag:s21] =	ssyncset.done $0x0  }
0xaf: {  	[sflag:s21] =	ssyncadd.s32 $0xFFFFFF00  }
0xb0: {  	s4 =	sld [smem:$0x10];
	_ =	sdelay $0x2  }
0xb1: {  	s23 =	sshll.u32 s0, $0xF  }
0xb2: {  	s2 =	sadd.s32 $0x2A00, s18;
	s3 =	sadd.s32 s23, s18;
	s4 =	sshll.u32 s4, $0x4  }
0xb3: {  	s3 =	sadd.s32 $0xF44E00, s3;
	s24 =	sand.u32 $0x1FFFFFF0, s4  }
0xb4: {  	s6 =	sadd.s32 $0x0, s3;
	s4 =	simm.s32 $0xA;
	s5 =	sadd.s32 s2, s24  }
0xb5: {  	[hbm:s6], [sflag:s4] =	dma.local [hbm:s5], $0x10  }
0xb6: {  	s5 =	sld [smem:$0x11];
	_ =	sdelay $0x3  }
0xb7: {  	s5 =	sshll.u32 s5, $0x4  }
0xb8: {  	s5 =	sand.u32 $0x1FFFFFF0, s5  }
0xb9: {  	s7 =	sadd.s32 $0x10, s6;
	s5 =	sadd.s32 s2, s5  }
0xba: {  	[hbm:s7], [sflag:s4] =	dma.local [hbm:s5], $0x10  }
0xbb: {  	s5 =	sld [smem:$0x12];
	_ =	sdelay $0x3  }
0xbc: {  	s5 =	sshll.u32 s5, $0x4  }
0xbd: {  	s5 =	sand.u32 $0x1FFFFFF0, s5  }
0xbe: {  	s25 =	sadd.s32 $0x20, s6;
	s5 =	sadd.s32 s2, s5  }
0xbf: {  	[hbm:s25], [sflag:s4] =	dma.local [hbm:s5], $0x10  }
0xc0: {  	s5 =	sld [smem:$0x13];
	_ =	sdelay $0x3  }
0xc1: {  	s5 =	sshll.u32 s5, $0x4  }
0xc2: {  	s5 =	sand.u32 $0x1FFFFFF0, s5  }
0xc3: {  	s26 =	sadd.s32 $0x30, s6;
	s5 =	sadd.s32 s2, s5  }
0xc4: {  	[hbm:s26], [sflag:s4] =	dma.local [hbm:s5], $0x10  }
0xc5: {  	s5 =	sld [smem:$0x14];
	_ =	sdelay $0x3  }
0xc6: {  	s5 =	sshll.u32 s5, $0x4  }
0xc7: {  	s5 =	sand.u32 $0x1FFFFFF0, s5  }
0xc8: {  	s28 =	sadd.s32 $0x40, s6;
	s5 =	sadd.s32 s2, s5  }
0xc9: {  	[hbm:s28], [sflag:s4] =	dma.local [hbm:s5], $0x10  }
0xca: {  	s5 =	sld [smem:$0x15];
	_ =	sdelay $0x3  }
0xcb: {  	s5 =	sshll.u32 s5, $0x4  }
0xcc: {  	s5 =	sand.u32 $0x1FFFFFF0, s5  }
0xcd: {  	s29 =	sadd.s32 $0x50, s6;
	s5 =	sadd.s32 s2, s5  }
0xce: {  	[hbm:s29], [sflag:s4] =	dma.local [hbm:s5], $0x10  }
0xcf: {  	s5 =	sld [smem:$0x16];
	_ =	sdelay $0x3  }
0xd0: {  	s5 =	sshll.u32 s5, $0x4  }
0xd1: {  	s5 =	sand.u32 $0x1FFFFFF0, s5  }
0xd2: {  	s30 =	sadd.s32 $0x60, s6;
	s5 =	sadd.s32 s2, s5  }
0xd3: {  	[hbm:s30], [sflag:s4] =	dma.local [hbm:s5], $0x10  }
0xd4: {  	s5 =	sld [smem:$0x17];
	_ =	sdelay $0x3  }
0xd5: {  	s31 =	sshll.u32 s5, $0x4  }
0xd6: {  	s5 =	simm.s32 $0x80;
	s7 =	sand.u32 $0x1FFFFFF0, s31  }
0xd7: {  	s8 =	sadd.s32 s2, s7;
	s7 =	sadd.s32 $0x70, s6;
	s6 =	simm.s32 $0x1C  }
.LBB1_1:
0xd8: {  	[hbm:s7], [sflag:s4] =	dma.local [hbm:s8], $0x10  }
0xd9: {  	s7 =	smov.u32 s5  }
0xda: {  	p0 =	sne.s32 s5, $0x7F80;
	s5 =	sadd.s32 $0x80, s5;
	s8 =	sld [smem:s6+$0xFFFFFFFC]  }
0xdb: {  	_ =	sdelay $0x2  }
0xdc: {  	s8 =	sshll.u32 s8, $0x4  }
0xdd: {  	s8 =	sand.u32 $0x1FFFFFF0, s8  }
0xde: {  	s7 =	sadd.s32 s7, s3;
	s8 =	sadd.s32 s2, s8  }
0xdf: {  	[hbm:s7], [sflag:s4] =	dma.local [hbm:s8], $0x10  }
0xe0: {  	s8 =	sld [smem:s6+$0xFFFFFFFD];
	_ =	sdelay $0x3  }
0xe1: {  	s8 =	sshll.u32 s8, $0x4  }
0xe2: {  	s8 =	sand.u32 $0x1FFFFFF0, s8  }
0xe3: {  	s9 =	sadd.s32 $0x10, s7;
	s8 =	sadd.s32 s2, s8  }
0xe4: {  	[hbm:s9], [sflag:s4] =	dma.local [hbm:s8], $0x10  }
0xe5: {  	s8 =	sld [smem:s6+$0xFFFFFFFE];
	_ =	sdelay $0x3  }
0xe6: {  	s8 =	sshll.u32 s8, $0x4  }
0xe7: {  	s8 =	sand.u32 $0x1FFFFFF0, s8  }
0xe8: {  	s9 =	sadd.s32 $0x20, s7;
	s8 =	sadd.s32 s2, s8  }
0xe9: {  	[hbm:s9], [sflag:s4] =	dma.local [hbm:s8], $0x10  }
0xea: {  	s8 =	sld [smem:s6+$0xFFFFFFFF];
	_ =	sdelay $0x3  }
0xeb: {  	s8 =	sshll.u32 s8, $0x4  }
0xec: {  	s8 =	sand.u32 $0x1FFFFFF0, s8  }
0xed: {  	s9 =	sadd.s32 $0x30, s7;
	s8 =	sadd.s32 s2, s8  }
0xee: {  	[hbm:s9], [sflag:s4] =	dma.local [hbm:s8], $0x10  }
0xef: {  	s8 =	sld [smem:s6+$0x0];
	_ =	sdelay $0x3  }
0xf0: {  	s8 =	sshll.u32 s8, $0x4  }
0xf1: {  	s8 =	sand.u32 $0x1FFFFFF0, s8  }
0xf2: {  	s9 =	sadd.s32 $0x40, s7;
	s8 =	sadd.s32 s2, s8  }
0xf3: {  	[hbm:s9], [sflag:s4] =	dma.local [hbm:s8], $0x10  }
0xf4: {  	s8 =	sld [smem:s6+$0x1];
	_ =	sdelay $0x3  }
0xf5: {  	s8 =	sshll.u32 s8, $0x4  }
0xf6: {  	s8 =	sand.u32 $0x1FFFFFF0, s8  }
0xf7: {  	s9 =	sadd.s32 $0x50, s7;
	s8 =	sadd.s32 s2, s8  }
0xf8: {  	[hbm:s9], [sflag:s4] =	dma.local [hbm:s8], $0x10  }
0xf9: {  	s8 =	sld [smem:s6+$0x2];
	_ =	sdelay $0x3  }
0xfa: {  	s8 =	sshll.u32 s8, $0x4  }
0xfb: {  	s8 =	sand.u32 $0x1FFFFFF0, s8  }
0xfc: {  	s9 =	sadd.s32 $0x60, s7;
	s8 =	sadd.s32 s2, s8  }
0xfd: {  	[hbm:s9], [sflag:s4] =	dma.local [hbm:s8], $0x10  }
0xfe: {  	s8 =	sld [smem:s6+$0x3];
	_ =	sdelay $0x2  }
.Ltmp0:
0xff: {  	(pc) =	sbr.rel @p0 .LBB1_1-.Ltmp0, $3  }
0x100: {  	s8 =	sshll.u32 s8, $0x4  }
0x101: {  	s8 =	sand.u32 $0x1FFFFFF0, s8  }
0x102: {  	s7 =	sadd.s32 $0x70, s7;
	s6 =	sadd.s32 $0x8, s6;
	s8 =	sadd.s32 s2, s8  }
0x103: {  	[hbm:s7], [sflag:s4] =	dma.local [hbm:s8], $0x10  }
0x104: {  	s2 =	simm.s32 $0xA  }
0x105: {  	_ =	swait.ge [sflag:s2], $0x8000  }
0x106: {  	[sflag:s2] =	ssyncset.done $0x0  }
0x107: {  	[sflag:s2] =	ssyncadd.s32 $0xFFFF8000  }
0x108: {  	_ =	strace $0x90000049  }
0x109: {  	_ =	sfence  }
0x10a: {  	s30 =	sld [smem:$0x0];
	_ =	sdelay $0x2  }
0x10b: {  	s3 =	sshll.u32 s1, $0xD;
	s31 =	sshrl.u32 s1, $0x2  }
0x10c: {  	s3 =	sand.u32 $0x4000, s3;
	s1 =	sadd.s32 s31, s30  }
0x10d: {  	s0 =	sor.u32 s3, s0;
	s1 =	sshll.u32 s1, $0x11  }
0x10e: {  	s0 =	sor.u32 s1, s0  }
0x10f: {  	s0 =	sadd.s32 $0x8F2B, s0;
	(pc) =	sbr.abs _section_cstart, $3  }
0x110: {  	[sflag:s0] =	ssyncadd.remote.s32 $0x1  }
0x111: {  	_ =	strace $0x9FFFFFFF  }
0x112: {  	(tm) =	ssettm $0x7FFFFFFF  }
0x113: {  	_ =	shalt  }

// kernel: kernel.8.cloned.1.call-start
scs
__scs_entry_jumppad:
0x0: {  	(pc) =	sbr.rel $0x88, $3  }
0x1: {  	(tag) =	ssettag $0x0;
	lr =	simm.s32 $0x1  }
0x2: {  	[smem:$0x3F9D] =	sst lr;
	_ =	strace $0xD0000000  }
0x3: {  	_ = 	snop  }
0x4: {  	_ = 	snop  }
0x5: {  	_ = 	snop  }
0x6: {  	_ = 	snop  }
0x7: {  	_ = 	snop  }
__scs_overlays_trampoline_lowered:
0x8: {  	[smem:$0x3FAC] =	sst s0  }
0x9: {  	[smem:$0x3FAD] =	sst s1  }
0xa: {  	[smem:$0x3FAE] =	sst s2  }
0xb: {  	[smem:$0x3FAF] =	sst s3  }
0xc: {  	[smem:$0x3FB0] =	sst s4  }
0xd: {  	[smem:$0x3FB1] =	sst s5  }
0xe: {  	[smem:$0x3FB2] =	sst s6  }
0xf: {  	[smem:$0x3FB3] =	sst s7  }
0x10: {  	[smem:$0x3FB4] =	sst s8  }
0x11: {  	[smem:$0x3FB5] =	sst s9;
	s0 =	simm.s32 @!p0 $0x0  }
0x12: {  	s1 =	sld [smem:$0x3F9B];
	s0 =	simm.s32 @p0 $0x1  }
0x13: {  	[smem:$0x3FB6] =	sst s0;
	s0 =	simm.s32 @!p1 $0x0  }
0x14: {  	s2 =	sld [smem:$0x3F9A];
	s0 =	simm.s32 @p1 $0x1  }
0x15: {  	[smem:$0x3FB7] =	sst s0;
	s0 =	simm.s32 @!p2 $0x0  }
0x16: {  	s3 =	sld [smem:$0x3FDB];
	s0 =	simm.s32 @p2 $0x1  }
0x17: {  	s4 =	simm.s32 $0x1BF5;
	[smem:$0x3FB9] =	sst s0  }
0x18: {  	s0 =	sld [smem:$0x3F9C];
	_ =	swait.ge [sflag:s4], $0x0  }
0x19: {  	s7 =	sld [smem:$0x3F9D]  }
0x1a: {  	s8 =	sadd.s32 $0xFFFFE003, lr  }
0x1b: {  	s9 =	sadd.s32 $0xFFFFFEF7, lr;
	s5 =	simm.s32 $0xFFFFFFFF;
	p2 =	slt.u32 s8, $0xFFFFF086  }
0x1c: {  	p1 =	slt.u32 s9, $0xF7A;
	s5 =	simm.s32 @!p2 $0x0  }
0x1d: {  	s5 =	simm.s32 @p1 $0x1;
	p0 =	seq.s32 s7, s2  }
0x1e: {  	s7 =	smul.u32 @!p0 $0xF7A, s2;
	p2 =	seq.s32 @!p0 s5, $0x0  }
0x1f: {  	s9 =	smul.u32 $0xF7A, s1;
	s8 =	simm.s32 @!p0 $0x1BF5;
	p2 =	por !p2, p0  }
0x20: {  	[sflag:s8] =	ssyncset.s32 @!p0 $0xFFFFF086;
	s6 =	sadd.s32 @!p0 s3, s7;
	s7 =	simm.s32 @!p0 $0x108  }
0x21: {  	s3 =	sadd.s32 s3, s9;
	s6 =	sadd.s32 @!p0 $0x88, s6;
	s7 =	simm.s32 @p2 $0x1082  }
0x22: {  	[simem:s7], [sflag:s8] =	dma.local @!p0 [hbm:s6], $0xF7A  }
0x23: {  	s9 =	sor.u32 $0xD0000000, s2;
	s6 =	simm.s32 $0x108;
	_ =	swait.ge @!p0 [sflag:s8], $0x0  }
0x24: {  	s3 =	sadd.s32 $0x88, s3;
	s6 =	simm.s32 @!p1 $0x1082;
	[sflag:s4] =	ssyncset.s32 $0xFFFFF086  }
0x25: {  	[simem:s6], [sflag:s4] =	dma.local [hbm:s3], $0xF7A  }
0x26: {  	[smem:$0x3F9D] =	sst s1;
	(tag) =	ssettag s2;
	_ =	strace s9  }
0x27: {  	s1 =	sld [smem:$0x3FAD]  }
0x28: {  	s2 =	sld [smem:$0x3FAE]  }
0x29: {  	s4 =	sld [smem:$0x3FB0]  }
0x2a: {  	p0 =	seq.s32 s5, $0x0;
	s5 =	sld [smem:$0x3FB1]  }
0x2b: {  	s6 =	sld [smem:$0x3FB2]  }
0x2c: {  	s7 =	sld [smem:$0x3FB3]  }
0x2d: {  	s3 =	simm.s32 $0x108;
	s8 =	sld [smem:$0x3FB4]  }
0x2e: {  	s3 =	simm.s32 @!p0 $0x1082;
	s9 =	sld [smem:$0x3FB5]  }
0x2f: {  	lr =	sadd.s32 s0, s3;
	s0 =	sld [smem:$0x3FAC]  }
0x30: {  	s3 =	sld [smem:$0x3FAF]  }
0x31: {  	[smem:$0x3FB8] =	sst s10  }
0x32: {  	s10 =	sld [smem:$0x3FB6];
	_ =	sdelay $0x3  }
0x33: {  	p0 =	seq.s32 s10, $0x1;
	s10 =	sld [smem:$0x3FB8];
	_ =	sdelay $0x3  }
0x34: {  	[smem:$0x3FB8] =	sst s10  }
0x35: {  	s10 =	sld [smem:$0x3FB7];
	_ =	sdelay $0x3  }
0x36: {  	p1 =	seq.s32 s10, $0x1;
	s10 =	sld [smem:$0x3FB8];
	_ =	sdelay $0x3  }
0x37: {  	[smem:$0x3FB8] =	sst s10  }
0x38: {  	s10 =	sld [smem:$0x3FB9]  }
0x39: {  	_ = 	snop;
	(pc) =	sbr.ind lr, $3  }
0x3a: {  	_ = 	snop  }
0x3b: {  	_ = 	snop  }
0x3c: {  	p2 =	seq.s32 s10, $0x1;
	s10 =	sld [smem:$0x3FB8]  }
0x3d: {  	_ =	shalt  }
0x3e: {  	_ =	shalt  }
0x3f: {  	_ =	shalt  }
0x40: {  	_ =	shalt  }
0x41: {  	_ =	shalt  }
0x42: {  	_ =	shalt  }
0x43: {  	_ =	shalt  }
0x44: {  	_ =	shalt  }
0x45: {  	_ =	shalt  }
0x46: {  	_ =	shalt  }
0x47: {  	_ =	shalt  }
0x48: {  	_ =	shalt  }
0x49: {  	_ =	shalt  }
0x4a: {  	_ =	shalt  }
0x4b: {  	_ =	shalt  }
0x4c: {  	_ =	shalt  }
0x4d: {  	_ =	shalt  }
0x4e: {  	_ =	shalt  }
0x4f: {  	_ =	shalt  }
0x50: {  	_ =	shalt  }
0x51: {  	_ =	shalt  }
0x52: {  	_ =	shalt  }
0x53: {  	_ =	shalt  }
0x54: {  	_ =	shalt  }
0x55: {  	_ =	shalt  }
0x56: {  	_ =	shalt  }
0x57: {  	_ =	shalt  }
0x58: {  	_ =	shalt  }
0x59: {  	_ =	shalt  }
0x5a: {  	_ =	shalt  }
0x5b: {  	_ =	shalt  }
0x5c: {  	_ =	shalt  }
0x5d: {  	_ =	shalt  }
0x5e: {  	_ =	shalt  }
0x5f: {  	_ =	shalt  }
0x60: {  	_ =	shalt  }
0x61: {  	_ =	shalt  }
0x62: {  	_ =	shalt  }
0x63: {  	_ =	shalt  }
0x64: {  	_ =	shalt  }
0x65: {  	_ =	shalt  }
0x66: {  	_ =	shalt  }
0x67: {  	_ =	shalt  }
0x68: {  	_ =	shalt  }
0x69: {  	_ =	shalt  }
0x6a: {  	_ =	shalt  }
0x6b: {  	_ =	shalt  }
0x6c: {  	_ =	shalt  }
0x6d: {  	_ =	shalt  }
0x6e: {  	_ =	shalt  }
0x6f: {  	_ =	shalt  }
0x70: {  	_ =	shalt  }
0x71: {  	_ =	shalt  }
0x72: {  	_ =	shalt  }
0x73: {  	_ =	shalt  }
0x74: {  	_ =	shalt  }
0x75: {  	_ =	shalt  }
0x76: {  	_ =	shalt  }
0x77: {  	_ =	shalt  }
0x78: {  	_ =	shalt  }
0x79: {  	_ =	shalt  }
0x7a: {  	_ =	shalt  }
0x7b: {  	_ =	shalt  }
0x7c: {  	_ =	shalt  }
0x7d: {  	_ =	shalt  }
0x7e: {  	_ =	shalt  }
0x7f: {  	_ =	shalt  }
0x80: {  	_ =	shalt  }
0x81: {  	_ =	shalt  }
0x82: {  	_ =	shalt  }
0x83: {  	_ =	shalt  }
0x84: {  	_ =	shalt  }
0x85: {  	_ =	shalt  }
0x86: {  	_ =	shalt  }
0x87: {  	_ =	shalt  }
.Lfunc_end0:
.L_simem_size_0:
called_computation.1_lowered:
.L_overlay_start_0:
0x88: {  	s2 =	sld [smem:$0x3FD9]  }
0x89: {  	s3 =	sld [smem:$0x3FFE];
	_ =	sdelay $0x1  }
0x8a: {  	s1 =	srdreg.scid  }
0x8b: {  	s0 =	sand.u32 $0x1, s1  }
0x8c: {  	s17 =	sshll.u32 s0, $0xA;
	s2 =	sadd.s32 s3, s2  }
0x8d: {  	s2 =	sadd.s32 s2, s17  }
0x8e: {  	[smem:$0x3FC4] =	sst s2  }
0x8f: {  	_ = 	snop  }
0x90: {  	s2 =	sld [smem:$0x3FC8]  }
0x91: {  	s18 =	sld [smem:$0x3FD0];
	(tm) =	ssettm $0x1  }
0x92: {  	s4 =	sld [smem:$0x3FFB];
	_ =	sdelay $0x3  }
0x93: {  	_ =	strace s4  }
0x94: {  	s4 =	sld [smem:$0x3FFC];
	_ =	sdelay $0x3  }
0x95: {  	_ =	strace s4  }
0x96: {  	s4 =	sld [smem:$0x3FFD];
	_ =	sdelay $0x3  }
0x97: {  	_ =	strace s4  }
0x98: {  	_ =	strace $0x8FFFFFFF  }
0x99: {  	s19 =	sld [smem:$0x3FDB];
	_ =	sdelay $0x1  }
0x9a: {  	s5 =	simm.s32 $_scs_section_size  }
0x9b: {  	s6 =	simm.s32 $_size__tile_overlayer_lowered;
	s7 =	simm.s32 $_tile_overlayer_lowered  }
0x9c: {  	s22 =	simm.s32 $0x1BFF;
	s21 =	sshll.u32 s7, $0x1;
	s4 =	sadd.s32 s5, s19  }
0x9d: {  	s8 =	simm.s32 $0x0;
	s20 =	sshll.u32 s6, $0x1;
	s6 =	sadd.s32 s21, s4  }
0x9e: {  	[timem:s8], [sflag:s22] =	dma.local [hbm:s6], s20  }
0x9f: {  	_ =	swait.ge [sflag:s22], s20  }
0xa0: {  	s5 =	ssub.s32 $0x0, s20;
	[sflag:s22] =	ssyncset.done $0x0  }
0xa1: {  	[sflag:s22] =	ssyncadd.s32 s5;
	_ =	sdelay $0x1  }
0xa2: {  	s23 =	simm.s32 $0x1B8B  }
0xa3: {  	_ =	swait.ge [sflag:s23], $0x1  }
0xa4: {  	[sflag:s23] =	ssyncset.done $0x0  }
0xa5: {  	s25 =	simm.s32 $0x1B8E;
	s24 =	sld [smem:$0x3FFE];
	[sflag:s23] =	ssyncadd.s32 $0xFFFFFFFF  }
0xa6: {  	s26 =	simm.s32 $execute0_lowered;
	[smem:$0x3FD2] =	sst s25  }
0xa7: {  	s6 =	sshll.u32 s26, $0x1;
	_ =	strace $0x80000046;
	[dreg:$0x1] =	wrdreg $0xFFFFFFFF  }
0xa8: {  	s28 =	simm.s32 $_size_execute0_lowered;
	s4 =	sadd.s32 s4, s6;
	[dreg:$0x0] =	wrdreg $0x0  }
0xa9: {  	s6 =	sshll.u32 s28, $0x1;
	[dreg:$0x2] =	wrdreg s4  }
0xaa: {  	[dreg:$0x3] =	wrdreg s6  }
0xab: {  	[dreg:$0x4] =	wrdreg $0xC0  }
0xac: {  	_ =	task [dreg:s8], $0x5FFFF  }
0xad: {  	[dreg:$0x1] =	wrdreg $0xFFFFFFFF  }
0xae: {  	[dreg:$0x0] =	wrdreg $0x60  }
0xaf: {  	[dreg:$0x2] =	wrdreg s2  }
0xb0: {  	[dreg:$0x3] =	wrdreg s18  }
0xb1: {  	[dreg:$0x4] =	wrdreg s24  }
0xb2: {  	[dreg:$0x5] =	wrdreg $0x9  }
0xb3: {  	_ =	task.clear_ibuf [dreg:s8], $0x6FFFF;
	_ =	strace $0x90000046  }
0xb4: {  	s29 =	simm.s32 $0x9;
	_ =	strace $0x80000048  }
0xb5: {  	_ =	swait.ge [sflag:s29], $0x1  }
0xb6: {  	[sflag:s29] =	ssyncadd.s32 $0xFFFFFFFF  }
0xb7: {  	_ =	strace $0x90000048  }
0xb8: {  	_ =	sfence  }
0xb9: {  	s30 =	sld [smem:$0x0];
	_ =	sdelay $0x2  }
0xba: {  	s31 =	sshll.u32 s1, $0xD;
	s1 =	sshrl.u32 s1, $0x2  }
0xbb: {  	s3 =	sand.u32 $0x4000, s31;
	s1 =	sadd.s32 s1, s30  }
0xbc: {  	s0 =	sor.u32 s3, s0;
	s1 =	sshll.u32 s1, $0x11  }
0xbd: {  	s0 =	sor.u32 s1, s0  }
0xbe: {  	s0 =	sadd.s32 $0x8F2B, s0  }
0xbf: {  	[sflag:s0] =	ssyncadd.remote.s32 $0x1  }
0xc0: {  	_ =	sfence.sel $0xFFFF  }
0xc1: {  	[dreg:$0x0] =	wrdreg $0xFFFFFFFF;
	(pc) =	sbr.abs _section_cstart, $3  }
0xc2: {  	[dreg:$0x1] =	wrdreg $0xFFFFFFFF  }
0xc3: {  	_ =	task.clear_ibuf [dreg:s8], $0x2FFFF;
	_ =	strace $0x9FFFFFFF  }
0xc4: {  	(tm) =	ssettm $0x7FFFFFFF  }
0xc5: {  	_ =	shalt  }
tec
execute0_lowered:
.L_overlay_start_1:
0x0: {  	(tag) =	ssettag $0x1  }
0x1: {  	s4 =	rddreg [dreg:$0x0];
	s1 =	srdreg.scid  }
0x2: {  	s2 =	rddreg [dreg:$0x1];
	s0 =	stileid.u32;
	s6 =	sand.u32 $0x1, s1  }
0x3: {  	s7 =	rddreg [dreg:$0x2];
	s5 =	sshll.u32 s0, $0x8;
	s8 =	sshll.u32 s6, $0x7  }
0x4: {  	s3 =	simm.s32 $0x0;
	s1 =	rddreg [dreg:$0x3];
	s8 =	sor.u32 s8, s5  }
0x5: {  	[smem:$0x7FF] =	sst s3;
	s5 =	sshrl.u32 s8, $0x3  }
0x6: {  	_ =	strace $0x80000047;
	s5 =	sadd.s32 s4, s5;
	s4 =	simm.s32 $0x2  }
0x7: {  	[tilespmem:s3], [sflag:$0x2] =	stream.linear.gather [hbm4b:s5+s3], $0x80, $0x38;
	[tilespmem:$0x900] =	vst v63  }
0x8: {  	_ =	swait.ge [sflag:s4], $0x80  }
0x9: {  	[sflag:s4] =	ssyncset.done $0x0  }
0xa: {  	[sflag:s4] =	ssyncadd.s32 $0xFFFFFF80  }
0xb: {  	v0 =	vld [tilespmem:$0x70]  }
0xc: {  	v1 =	vld [tilespmem:$0x30]  }
0xd: {  	v2 =	vld [tilespmem:$0x50]  }
0xe: {  	v3 =	vld [tilespmem:$0x40]  }
0xf: {  	s6 =	ssub.s32 $0x2, s6;
	v4 =	vld [tilespmem:$0x60]  }
0x10: {  	s9 =	sshrl.u32 s6, $0x1;
	v5 =	vld [tilespmem:$0x20];
	v0 =	vshrl.u32 v0, $0x4  }
0x11: {  	s6 =	ssub.s32 s6, s9;
	v6 =	vld [tilespmem:$0x10];
	v1 =	vshrl.u32 v1, $0x4;
	[tilespmem:$0xF0] =	vst v0  }
0x12: {  	s10 =	smax.u32 s6, $0x1;
	v58 =	vld [tilespmem:$0x0];
	v59 =	vshrl.u32 v2, $0x4;
	[tilespmem:$0xB0] =	vst v1  }
0x13: {  	p0 =	sne.s32 s10, $0x1;
	v60 =	vshrl.u32 v3, $0x4;
	[tilespmem:$0xD0] =	vst v59  }
.Ltmp0:
0x14: {  	v61 =	vshrl.u32 v4, $0x4;
	[tilespmem:$0xC0] =	vst v60;
	(pc) =	sbr.rel @!p0 .LBB2_2-.Ltmp0, $4  }
0x15: {  	v62 =	vshrl.u32 v5, $0x4;
	[tilespmem:$0xE0] =	vst v61  }
0x16: {  	s8 =	sshll.u32 s8, $0x1;
	v63 =	vshrl.u32 v6, $0x4;
	[tilespmem:$0xA0] =	vst v62  }
0x17: {  	s9 =	simm.s32 $0x1;
	s7 =	sadd.s32 s8, s7;
	s8 =	simm.s32 $0x100;
	v0 =	vshrl.u32 v58, $0x4;
	[tilespmem:$0x90] =	vst v63  }
0x18: {  	s6 =	sadd.s32 $0xA00, s7;
	s7 =	simm.s32 $0x80;
	s10 =	sadd.s32 $0xFFFFFFFF, s10;
	[tilespmem:$0x80] =	vst v0  }
.LBB2_1:
0x19: {  	[tilespmem:s8], [sflag:$0x1] =	stream.indirect.gather [hbm4b:s2+s7], $0x10, s7, s7, $0xb8;
	[tilespmem:$0x900] =	vst v63  }
0x1a: {  	p0 =	sne.s32 s10, $0x1;
	s10 =	sadd.s32 $0xFFFFFFFF, s10;
	_ =	swait.ge [sflag:s9], $0x800  }
0x1b: {  	[sflag:s9] =	ssyncset.done $0x0  }
0x1c: {  	[sflag:s9] =	ssyncadd.s32 $0xFFFFF800  }
0x1d: {  	[hbm4b:s6+s3] =	stream.linear.scatter [tilespmem:s8], [sflag:$0x2], $0x800, $0x38;
	[tilespmem:$0x900] =	vst v63  }
0x1e: {  	_ =	swait.ge [sflag:s4], $0x800  }
0x1f: {  	[sflag:s4] =	ssyncset.done $0x0  }
0x20: {  	[sflag:s4] =	ssyncadd.s32 $0xFFFFF800  }
0x21: {  	[tilespmem:s3], [sflag:$0x2] =	stream.linear.gather [hbm4b:s5+s3], $0x80, $0x38;
	[tilespmem:$0x900] =	vst v63  }
0x22: {  	_ =	swait.ge [sflag:s4], $0x80  }
0x23: {  	[sflag:s4] =	ssyncset.done $0x0  }
0x24: {  	[sflag:s4] =	ssyncadd.s32 $0xFFFFFF80  }
0x25: {  	v0 =	vld [tilespmem:$0x70]  }
0x26: {  	v1 =	vld [tilespmem:$0x30]  }
0x27: {  	v2 =	vld [tilespmem:$0x50]  }
0x28: {  	v3 =	vld [tilespmem:$0x40]  }
0x29: {  	v4 =	vld [tilespmem:$0x60]  }
0x2a: {  	v5 =	vld [tilespmem:$0x20];
	v0 =	vshrl.u32 v0, $0x4  }
0x2b: {  	v6 =	vld [tilespmem:$0x10];
	v1 =	vshrl.u32 v1, $0x4;
	[tilespmem:$0xF0] =	vst v0  }
0x2c: {  	v0 =	vld [tilespmem:$0x0];
	[tilespmem:$0xB0] =	vst v1;
	v1 =	vshrl.u32 v2, $0x4  }
0x2d: {  	v2 =	vshrl.u32 v3, $0x4;
	[tilespmem:$0xD0] =	vst v1  }
.Ltmp1:
0x2e: {  	[tilespmem:$0xC0] =	vst v2;
	v1 =	vshrl.u32 v4, $0x4;
	(pc) =	sbr.rel @p0 .LBB2_1-.Ltmp1, $4  }
0x2f: {  	v2 =	vshrl.u32 v5, $0x4;
	[tilespmem:$0xE0] =	vst v1  }
0x30: {  	v1 =	vshrl.u32 v6, $0x4;
	[tilespmem:$0xA0] =	vst v2  }
0x31: {  	v0 =	vshrl.u32 v0, $0x4;
	[tilespmem:$0x90] =	vst v1  }
0x32: {  	[tilespmem:$0x80] =	vst v0  }
.LBB2_2:
0x33: {  	[tilespmem:s8], [sflag:$0x1] =	stream.indirect.gather [hbm4b:s2+s7], $0x10, s7, s7, $0xb8;
	[tilespmem:$0x900] =	vst v63  }
0x34: {  	_ =	swait.ge [sflag:s9], $0x800  }
0x35: {  	[sflag:s9] =	ssyncset.done $0x0  }
0x36: {  	[sflag:s9] =	ssyncadd.s32 $0xFFFFF800  }
0x37: {  	[hbm4b:s6+s3] =	stream.linear.scatter [tilespmem:s8], [sflag:$0x2], $0x800, $0x38;
	[tilespmem:$0x900] =	vst v63  }
0x38: {  	_ =	swait.ge [sflag:s4], $0x800  }
0x39: {  	[sflag:s4] =	ssyncset.done $0x0  }
0x3a: {  	[sflag:s4] =	ssyncadd.s32 $0xFFFFF800  }
0x3b: {  	_ =	sfence.sel $0x180000  }
0x3c: {  	[bflag:$0x0] =	sbarrier.arrive $0xFFFF  }
0x3d: {  	p0 =	sne.s32 s0, $0x0;
	_ =	strace $0x90000047  }
0x3e: {  	s0 =	sadd.s32 @!p0 $0x100000, s1;
	[bflag:$0x2] =	sbarrier.arrive $0xFFFF  }
0x3f: {  	[sflag:s0] =	ssyncadd.tile.s32 @!p0 $0x1;
	_ =	shalt  }
.Lfunc_end2:
_tile_overlayer_lowered:
.L_overlay_start_2:
0x40: {  	(tag) =	ssettag $0x2  }
0x41: {  	s0 =	rddreg [dreg:$0x0];
	s2 =	stileid.u32  }
0x42: {  	s1 =	rddreg [dreg:$0x1];
	p0 =	sne.s32 s2, $0x0  }
0x43: {  	s3 =	rddreg [dreg:$0x2];
	[bflag:$0x3] =	sbarrier.arrive $0xFFFF;
	s2 =	simm.s32 @!p0 $0x1C02  }
0x44: {  	[timem:s3], [sflag:s2] =	dma.local @!p0 [hbm:s0], s1  }
0x45: {  	s0 =	simm.s32 @!p0 $0x2  }
0x46: {  	_ =	swait.ge @!p0 [sflag:s0], s1  }
0x47: {  	s1 =	ssub.s32 @!p0 $0x0, s1;
	[sflag:s0] =	ssyncset.done @!p0 $0x0  }
0x48: {  	[sflag:s0] =	ssyncadd.s32 @!p0 s1  }
0x49: {  	[bflag:$0x3] =	sbarrier.arrive $0xFFFF  }
0x4a: {  	_ =	shalt  }

</sc_bundles>
